<compile_context>
chip_gen: v7x
topology: tpu7x:2x2x1
jax: 0.10.2.dev20260603
libtpu: 0.0.44.dev20260713+nightly
codegen_flags: <defaults>
</compile_context>

<pallas_src>
import functools

import jax
import jax.numpy as jnp
from jax import lax
from jax.experimental import pallas as pl
from jax.experimental.pallas import tpu as pltpu
from jax.experimental.pallas import tpu_sc as plsc

_NC = 2
_NS = 16
_L = 16
_NW = _NC * _NS


def _dense_body(out_t_ref, w_ref, s_ref):
    w = jax.nn.softmax(w_ref[...])
    s_ref[...] = jnp.sum(out_t_ref[...] * w[:, None], axis=0)


def kernel(output_idx, output, history, assist_rate, assist_weight):
    B, NO = output.shape
    bpw = B // _NW
    groups = bpw // _L

    s = pl.pallas_call(
        _dense_body,
        out_shape=jax.ShapeDtypeStruct((B,), jnp.float32),
    )(output.T, assist_weight)

    mesh = plsc.VectorSubcoreMesh(core_axis_name="c", subcore_axis_name="s")

    @functools.partial(
        pl.kernel,
        out_type=jax.ShapeDtypeStruct((B,), jnp.float32),
        mesh=mesh,
        scratch_types=[
            pltpu.VMEM((bpw,), jnp.int32),
            pltpu.VMEM((bpw,), jnp.float32),
            pltpu.VMEM((bpw,), jnp.float32),
            pltpu.VMEM((bpw,), jnp.float32),
            pltpu.VMEM((bpw,), jnp.float32),
            pltpu.SemaphoreType.DMA,
        ],
    )
    def _combine_sc(idx_hbm, s_hbm, hist_hbm, rate_hbm, tgt_hbm,
                    idx_v, ar_v, s_v, hist_v, res_v, sem_ar):
        wid = lax.axis_index("s") * _NC + lax.axis_index("c")
        base = wid * bpw

        pltpu.sync_copy(idx_hbm.at[pl.ds(base, bpw)], idx_v)
        cp_ar = pltpu.async_copy(rate_hbm.at[idx_v], ar_v, sem_ar)
        pltpu.sync_copy(s_hbm.at[pl.ds(base, bpw)], s_v)
        pltpu.sync_copy(hist_hbm.at[pl.ds(base, bpw)], hist_v)
        cp_ar.wait()

        def body(g, carry):
            off = g * _L
            res_v[pl.ds(off, _L)] = (hist_v[pl.ds(off, _L)]
                                     + ar_v[pl.ds(off, _L)] * s_v[pl.ds(off, _L)])
            return carry

        lax.fori_loop(0, groups, body, 0)
        pltpu.sync_copy(res_v, tgt_hbm.at[pl.ds(base, bpw)])

    return _combine_sc(output_idx.astype(jnp.int32), s, history, assist_rate)

# --- scband reference (transcript-rebuilt; emitter-appended) ---
"""Pipeline reference for scband-assist-55224689492479 (READ-ONLY COPY).

The authoritative reference and input builder live on the scoring server;
editing this copy changes nothing except your own understanding.
"""

import jax, jax.numpy as jnp
import numpy as np

B = 16384
NUM_OUTPUTS = 1000000
NUM_ORG = 26
AR = 1.0


def setup_inputs(seed: int = 0) -> dict:
    key = jax.random.key(seed)
    k1, k2, k3 = jax.random.split(key, 3)
    output_idx = jax.random.randint(k1, (B,), 0, NUM_OUTPUTS, dtype=jnp.int64 if jax.config.jax_enable_x64 else jnp.int32)
    output = jax.random.normal(k2, (B, NUM_ORG), dtype=jnp.float32)
    history = jax.random.normal(k3, (B,), dtype=jnp.float32)
    # module state (ar_mode='constant', aw_mode='constant' -> buffers)
    assist_rate = jnp.full((NUM_OUTPUTS,), AR, dtype=jnp.float32)
    assist_weight = jnp.ones((NUM_ORG,), dtype=jnp.float32) / NUM_ORG
    return {
        "output_idx": output_idx,
        "output": output,
        "history": history,
        "assist_rate": assist_rate,
        "assist_weight": assist_weight,
    }


def reference(output_idx, output, history, assist_rate, assist_weight):
    # assist_rate = self.assist_rate[input['output_idx']]  (gather into 1M-row table)
    ar = jnp.take(assist_rate, output_idx, axis=0)
    # no-NaN path of forward:
    # target = history + assist_rate * (output * assist_weight.softmax(-1)).sum(-1)
    w = jax.nn.softmax(assist_weight, axis=-1)
    target = history + ar * jnp.sum(output * w, axis=-1)
    return target

if __name__ == "__main__":
    import jax
    _d = setup_inputs()
    print(jax.jit(kernel)(*tuple(_d.values())))

</pallas_src>

<mosaic_0001>
#map = affine_map<(d0, d1) -> (0)>
module attributes {stable_mosaic.version = 14 : i64} {
  func.func @_combine_sc(%arg0: i32, %arg1: i32, %arg2: memref<16384xi32, #tpu.memory_space<hbm>>, %arg3: memref<16384xf32, #tpu.memory_space<hbm>>, %arg4: memref<16384xf32, #tpu.memory_space<hbm>>, %arg5: memref<1000000xf32, #tpu.memory_space<hbm>>, %arg6: memref<16384xf32, #tpu.memory_space<hbm>>, %arg7: memref<512xi32, #tpu.memory_space<vmem>>, %arg8: memref<512xf32, #tpu.memory_space<vmem>>, %arg9: memref<512xf32, #tpu.memory_space<vmem>>, %arg10: memref<512xf32, #tpu.memory_space<vmem>>, %arg11: memref<512xf32, #tpu.memory_space<vmem>>, %arg12: memref<!tpu.dma_semaphore, #tpu.memory_space<semaphore_mem>>) attributes {dimension_semantics = [#tpu.dimension_semantics<core_parallel>, #tpu.dimension_semantics<subcore_parallel>], iteration_bounds = array<i64: 2, 16>, scalar_prefetch = 0 : i64, scratch_operands = 6 : i64, tpu.core_type = #tpu.core_type<sc_vector_subcore>, window_params = [{transform_indices = #map}, {transform_indices = #map}, {transform_indices = #map}, {transform_indices = #map}, {transform_indices = #map}]} {
    %mul3A = arith.constant 2 : i32
    %mul3A_0 = arith.muli %arg1, %mul3A : i32
    %add3A = arith.addi %mul3A_0, %arg0 : i32
    %mul3A_1 = arith.constant 512 : i32
    %mul3A_2 = arith.muli %add3A, %mul3A_1 : i32
    "tpu.region"() ({
      %run_scoped3A = tpu.sem_alloc : memref<!tpu.dma_semaphore, #tpu.memory_space<semaphore_mem>>
      %dma_start3A_10 = tpu.memref_slice %arg2[%mul3A_2] : memref<16384xi32, #tpu.memory_space<hbm>> -> memref<512xi32, #tpu.memory_space<hbm>>
      %dma_start3A_11 = tpu.memref_slice %arg2[%mul3A_2] : memref<16384xi32, #tpu.memory_space<hbm>> -> memref<512xi32, #tpu.memory_space<hbm>>
      tpu.enqueue_dma source(%dma_start3A_11 : memref<512xi32, #tpu.memory_space<hbm>>) target(%arg7 : memref<512xi32, #tpu.memory_space<vmem>>) target_semaphore(%run_scoped3A : memref<!tpu.dma_semaphore, #tpu.memory_space<semaphore_mem>>)
      %dma_wait3A_12 = tpu.memref_slice %arg2[%mul3A_2] : memref<16384xi32, #tpu.memory_space<hbm>> -> memref<512xi32, #tpu.memory_space<hbm>>
      %dma_wait3A_13 = tpu.memref_slice %arg2[%mul3A_2] : memref<16384xi32, #tpu.memory_space<hbm>> -> memref<512xi32, #tpu.memory_space<hbm>>
      tpu.wait_dma2 semaphore(%run_scoped3A : memref<!tpu.dma_semaphore, #tpu.memory_space<semaphore_mem>>) src(%dma_wait3A_13 : memref<512xi32, #tpu.memory_space<hbm>>) dst(%arg7 : memref<512xi32, #tpu.memory_space<vmem>>)
      tpu.yield
    }) : () -> ()
    %dma_start3A = arith.constant 0 : i32
    %dma_start3A_3 = tpu.memref_slice %arg5[%dma_start3A] : memref<1000000xf32, #tpu.memory_space<hbm>> -> memref<1000000xf32, #tpu.memory_space<hbm>>
    tpu.enqueue_indirect_dma source(%dma_start3A_3 : memref<1000000xf32, #tpu.memory_space<hbm>>) target(%arg8 : memref<512xf32, #tpu.memory_space<vmem>>) offsets(%arg7 : memref<512xi32, #tpu.memory_space<vmem>>) semaphore(%arg12 : memref<!tpu.dma_semaphore, #tpu.memory_space<semaphore_mem>>)
    "tpu.region"() ({
      %run_scoped3A = tpu.sem_alloc : memref<!tpu.dma_semaphore, #tpu.memory_space<semaphore_mem>>
      %dma_start3A_10 = tpu.memref_slice %arg3[%mul3A_2] : memref<16384xf32, #tpu.memory_space<hbm>> -> memref<512xf32, #tpu.memory_space<hbm>>
      %dma_start3A_11 = tpu.memref_slice %arg3[%mul3A_2] : memref<16384xf32, #tpu.memory_space<hbm>> -> memref<512xf32, #tpu.memory_space<hbm>>
      tpu.enqueue_dma source(%dma_start3A_11 : memref<512xf32, #tpu.memory_space<hbm>>) target(%arg9 : memref<512xf32, #tpu.memory_space<vmem>>) target_semaphore(%run_scoped3A : memref<!tpu.dma_semaphore, #tpu.memory_space<semaphore_mem>>)
      %dma_wait3A_12 = tpu.memref_slice %arg3[%mul3A_2] : memref<16384xf32, #tpu.memory_space<hbm>> -> memref<512xf32, #tpu.memory_space<hbm>>
      %dma_wait3A_13 = tpu.memref_slice %arg3[%mul3A_2] : memref<16384xf32, #tpu.memory_space<hbm>> -> memref<512xf32, #tpu.memory_space<hbm>>
      tpu.wait_dma2 semaphore(%run_scoped3A : memref<!tpu.dma_semaphore, #tpu.memory_space<semaphore_mem>>) src(%dma_wait3A_13 : memref<512xf32, #tpu.memory_space<hbm>>) dst(%arg9 : memref<512xf32, #tpu.memory_space<vmem>>)
      tpu.yield
    }) : () -> ()
    "tpu.region"() ({
      %run_scoped3A = tpu.sem_alloc : memref<!tpu.dma_semaphore, #tpu.memory_space<semaphore_mem>>
      %dma_start3A_10 = tpu.memref_slice %arg4[%mul3A_2] : memref<16384xf32, #tpu.memory_space<hbm>> -> memref<512xf32, #tpu.memory_space<hbm>>
      %dma_start3A_11 = tpu.memref_slice %arg4[%mul3A_2] : memref<16384xf32, #tpu.memory_space<hbm>> -> memref<512xf32, #tpu.memory_space<hbm>>
      tpu.enqueue_dma source(%dma_start3A_11 : memref<512xf32, #tpu.memory_space<hbm>>) target(%arg10 : memref<512xf32, #tpu.memory_space<vmem>>) target_semaphore(%run_scoped3A : memref<!tpu.dma_semaphore, #tpu.memory_space<semaphore_mem>>)
      %dma_wait3A_12 = tpu.memref_slice %arg4[%mul3A_2] : memref<16384xf32, #tpu.memory_space<hbm>> -> memref<512xf32, #tpu.memory_space<hbm>>
      %dma_wait3A_13 = tpu.memref_slice %arg4[%mul3A_2] : memref<16384xf32, #tpu.memory_space<hbm>> -> memref<512xf32, #tpu.memory_space<hbm>>
      tpu.wait_dma2 semaphore(%run_scoped3A : memref<!tpu.dma_semaphore, #tpu.memory_space<semaphore_mem>>) src(%dma_wait3A_13 : memref<512xf32, #tpu.memory_space<hbm>>) dst(%arg10 : memref<512xf32, #tpu.memory_space<vmem>>)
      tpu.yield
    }) : () -> ()
    %dma_wait3A = arith.constant 0 : i32
    %dma_wait3A_4 = tpu.memref_slice %arg5[%dma_wait3A] : memref<1000000xf32, #tpu.memory_space<hbm>> -> memref<1000000xf32, #tpu.memory_space<hbm>>
    tpu.wait_indirect_dma semaphore(%arg12 : memref<!tpu.dma_semaphore, #tpu.memory_space<semaphore_mem>>) src(%dma_wait3A_4 : memref<1000000xf32, #tpu.memory_space<hbm>>) dst(%arg8 : memref<512xf32, #tpu.memory_space<vmem>>)
    %scan3A = arith.constant 0 : i32
    %scan3A_5 = arith.constant 0 : i32
    %scan3A_6 = arith.constant 32 : i32
    %scan3A_7 = arith.addi %scan3A_5, %scan3A_6 : i32
    %scan3A_8 = arith.constant 1 : i32
    scf.for %scan3A_10 = %scan3A_5 to %scan3A_7 step %scan3A_8  : i32 {
      %mul3A_11 = arith.constant 16 : i32
      %mul3A_12 = arith.muli %scan3A_10, %mul3A_11 : i32
      %get3A = arith.index_cast %mul3A_12 : i32 to index
      %get3A_13 = tpu.vector_load %arg10[%get3A] {strides = array<i32>} : memref<512xf32, #tpu.memory_space<vmem>>, vector<16xf32>,
      %get3A_14 = vector.shape_cast %get3A_13 : vector<16xf32> to vector<16xf32>
      %get3A_15 = arith.index_cast %mul3A_12 : i32 to index
      %get3A_16 = tpu.vector_load %arg8[%get3A_15] {strides = array<i32>} : memref<512xf32, #tpu.memory_space<vmem>>, vector<16xf32>,
      %get3A_17 = vector.shape_cast %get3A_16 : vector<16xf32> to vector<16xf32>
      %get3A_18 = arith.index_cast %mul3A_12 : i32 to index
      %get3A_19 = tpu.vector_load %arg9[%get3A_18] {strides = array<i32>} : memref<512xf32, #tpu.memory_space<vmem>>, vector<16xf32>,
      %get3A_20 = vector.shape_cast %get3A_19 : vector<16xf32> to vector<16xf32>
      %mul3A_21 = arith.mulf %get3A_17, %get3A_20 : vector<16xf32>
      %add3A_22 = arith.addf %get3A_14, %mul3A_21 : vector<16xf32>
      %swap3A = arith.index_cast %mul3A_12 : i32 to index
      %swap3A_23 = tpu.vector_load %arg11[%swap3A] {strides = array<i32>} : memref<512xf32, #tpu.memory_space<vmem>>, vector<16xf32>,
      %swap3A_24 = vector.shape_cast %swap3A_23 : vector<16xf32> to vector<16xf32>
      %swap3A_25 = vector.shape_cast %add3A_22 : vector<16xf32> to vector<16xf32>
      tpu.vector_store %arg11[%swap3A], %swap3A_25 {strides = array<i32>} : memref<512xf32, #tpu.memory_space<vmem>>, vector<16xf32>,
    }
    %scan3A_9 = arith.constant 32 : i32
    "tpu.region"() ({
      %run_scoped3A = tpu.sem_alloc : memref<!tpu.dma_semaphore, #tpu.memory_space<semaphore_mem>>
      %dma_start3A_10 = tpu.memref_slice %arg6[%mul3A_2] : memref<16384xf32, #tpu.memory_space<hbm>> -> memref<512xf32, #tpu.memory_space<hbm>>
      %dma_start3A_11 = tpu.memref_slice %arg6[%mul3A_2] : memref<16384xf32, #tpu.memory_space<hbm>> -> memref<512xf32, #tpu.memory_space<hbm>>
      tpu.enqueue_dma source(%arg11 : memref<512xf32, #tpu.memory_space<vmem>>) target(%dma_start3A_11 : memref<512xf32, #tpu.memory_space<hbm>>) target_semaphore(%run_scoped3A : memref<!tpu.dma_semaphore, #tpu.memory_space<semaphore_mem>>)
      %dma_wait3A_12 = tpu.memref_slice %arg6[%mul3A_2] : memref<16384xf32, #tpu.memory_space<hbm>> -> memref<512xf32, #tpu.memory_space<hbm>>
      %dma_wait3A_13 = tpu.memref_slice %arg6[%mul3A_2] : memref<16384xf32, #tpu.memory_space<hbm>> -> memref<512xf32, #tpu.memory_space<hbm>>
      tpu.wait_dma2 semaphore(%run_scoped3A : memref<!tpu.dma_semaphore, #tpu.memory_space<semaphore_mem>>) src(%arg11 : memref<512xf32, #tpu.memory_space<vmem>>) dst(%dma_wait3A_13 : memref<512xf32, #tpu.memory_space<hbm>>)
      tpu.yield
    }) : () -> ()
    return
  }
}

module attributes {stable_mosaic.version = 14 : i64} {
  func.func @_dense_body(%arg0: memref<26x16384xf32, #tpu.memory_space<vmem>>, %arg1: memref<26xf32, #tpu.memory_space<vmem>>, %arg2: memref<16384xf32, #tpu.memory_space<vmem>>) attributes {dimension_semantics = [], scalar_prefetch = 0 : i64, scratch_operands = 0 : i64, tpu.core_type = #tpu.core_type<tc>} {
    %get3A = arith.constant 0 : index
    %get3A_0 = vector.load %arg1[%get3A] : memref<26xf32, #tpu.memory_space<vmem>>, vector<26xf32>
    %reduce_max3A = vector.shape_cast %get3A_0 : vector<26xf32> to vector<1x26xf32>
    %reduce_max3A_1 = arith.constant dense<0xFF800000> : vector<1xf32>
    %reduce_max3A_2 = vector.multi_reduction <maximumf>, %reduce_max3A, %reduce_max3A_1 [1] : vector<1x26xf32> to vector<1xf32>
    %reduce_max3A_3 = vector.shape_cast %reduce_max3A_2 : vector<1xf32> to vector<1x1xf32>
    %reduce_max3A_4 = vector.extract %reduce_max3A_3[0, 0] : f32 from vector<1x1xf32>
    %max3A = arith.constant 0xFF800000 : f32
    %max3A_5 = arith.maximumf %max3A, %reduce_max3A_4 : f32
    %broadcast_in_dim3A = vector.broadcast %max3A_5 : f32 to vector<1xf32>
    %sub3A = vector.broadcast %broadcast_in_dim3A : vector<1xf32> to vector<26xf32>
    %sub3A_6 = arith.subf %get3A_0, %sub3A : vector<26xf32>
    %exp3A = math.exp %sub3A_6 : vector<26xf32>
    %reduce_sum3A = vector.shape_cast %exp3A : vector<26xf32> to vector<1x26xf32>
    %reduce_sum3A_7 = arith.constant dense<0.000000e+00> : vector<1xf32>
    %reduce_sum3A_8 = vector.multi_reduction <add>, %reduce_sum3A, %reduce_sum3A_7 [1] : vector<1x26xf32> to vector<1xf32>
    %reduce_sum3A_9 = vector.shape_cast %reduce_sum3A_8 : vector<1xf32> to vector<1x1xf32>
    %reduce_sum3A_10 = vector.extract %reduce_sum3A_9[0, 0] : f32 from vector<1x1xf32>
    %broadcast_in_dim3A_11 = vector.broadcast %reduce_sum3A_10 : f32 to vector<1xf32>
    %div3A = vector.broadcast %broadcast_in_dim3A_11 : vector<1xf32> to vector<26xf32>
    %div3A_12 = arith.divf %exp3A, %div3A : vector<26xf32>
    %get3A_13 = arith.constant 0 : index
    %get3A_14 = arith.constant 0 : index
    %get3A_15 = vector.load %arg0[%get3A_13, %get3A_14] : memref<26x16384xf32, #tpu.memory_space<vmem>>, vector<26x16384xf32>
    %broadcast_in_dim3A_16 = vector.shape_cast %div3A_12 : vector<26xf32> to vector<26x1xf32>
    %mul3A = vector.broadcast %broadcast_in_dim3A_16 : vector<26x1xf32> to vector<26x16384xf32>
    %mul3A_17 = arith.mulf %get3A_15, %mul3A : vector<26x16384xf32>
    %reduce_sum3A_18 = arith.constant dense<0.000000e+00> : vector<16384xf32>
    %reduce_sum3A_19 = vector.multi_reduction <add>, %mul3A_17, %reduce_sum3A_18 [0] : vector<26x16384xf32> to vector<16384xf32>
    %swap3A = arith.constant 0 : index
    %swap3A_20 = vector.load %arg2[%swap3A] : memref<16384xf32, #tpu.memory_space<vmem>>, vector<16384xf32>
    tpu.vector_store %arg2[%swap3A], %reduce_sum3A_19 {strides = array<i32>} : memref<16384xf32, #tpu.memory_space<vmem>>, vector<16384xf32>,
    return
  }
}

</mosaic_0001>

<sc_bundles>
// kernel: kernel.4.cloned.1.call-start
scs
__scs_entry_jumppad:
0x0: {  	(pc) =	sbr.rel $0x88, $3  }
0x1: {  	(tag) =	ssettag $0x0;
	lr =	simm.s32 $0x1  }
0x2: {  	[smem:$0x3F9C] =	sst lr;
	_ =	strace $0xD0000000  }
0x3: {  	_ = 	snop  }
0x4: {  	_ = 	snop  }
0x5: {  	_ = 	snop  }
0x6: {  	_ = 	snop  }
0x7: {  	_ = 	snop  }
__scs_overlays_trampoline_lowered:
0x8: {  	[smem:$0x3FAB] =	sst s0  }
0x9: {  	[smem:$0x3FAC] =	sst s1  }
0xa: {  	[smem:$0x3FAD] =	sst s2  }
0xb: {  	[smem:$0x3FAE] =	sst s3  }
0xc: {  	[smem:$0x3FAF] =	sst s4  }
0xd: {  	[smem:$0x3FB0] =	sst s5  }
0xe: {  	[smem:$0x3FB1] =	sst s6  }
0xf: {  	[smem:$0x3FB2] =	sst s7  }
0x10: {  	[smem:$0x3FB3] =	sst s8  }
0x11: {  	[smem:$0x3FB4] =	sst s9;
	s0 =	simm.s32 @!p0 $0x0  }
0x12: {  	s1 =	sld [smem:$0x3F9A];
	s0 =	simm.s32 @p0 $0x1  }
0x13: {  	[smem:$0x3FB5] =	sst s0;
	s0 =	simm.s32 @!p1 $0x0  }
0x14: {  	s2 =	sld [smem:$0x3F99];
	s0 =	simm.s32 @p1 $0x1  }
0x15: {  	[smem:$0x3FB6] =	sst s0;
	s0 =	simm.s32 @!p2 $0x0  }
0x16: {  	s3 =	sld [smem:$0x3FDB];
	s0 =	simm.s32 @p2 $0x1  }
0x17: {  	s4 =	simm.s32 $0x1BF5;
	[smem:$0x3FB8] =	sst s0  }
0x18: {  	s0 =	sld [smem:$0x3F9B];
	_ =	swait.ge [sflag:s4], $0x0  }
0x19: {  	s7 =	sld [smem:$0x3F9C]  }
0x1a: {  	s8 =	sadd.s32 $0xFFFFE003, lr  }
0x1b: {  	s9 =	sadd.s32 $0xFFFFFEF7, lr;
	s5 =	simm.s32 $0xFFFFFFFF;
	p2 =	slt.u32 s8, $0xFFFFF086  }
0x1c: {  	p1 =	slt.u32 s9, $0xF7A;
	s5 =	simm.s32 @!p2 $0x0  }
0x1d: {  	s5 =	simm.s32 @p1 $0x1;
	p0 =	seq.s32 s7, s2  }
0x1e: {  	s7 =	smul.u32 @!p0 $0xF7A, s2;
	p2 =	seq.s32 @!p0 s5, $0x0  }
0x1f: {  	s9 =	smul.u32 $0xF7A, s1;
	s8 =	simm.s32 @!p0 $0x1BF5;
	p2 =	por !p2, p0  }
0x20: {  	[sflag:s8] =	ssyncset.s32 @!p0 $0xFFFFF086;
	s6 =	sadd.s32 @!p0 s3, s7;
	s7 =	simm.s32 @!p0 $0x108  }
0x21: {  	s3 =	sadd.s32 s3, s9;
	s6 =	sadd.s32 @!p0 $0x88, s6;
	s7 =	simm.s32 @p2 $0x1082  }
0x22: {  	[simem:s7], [sflag:s8] =	dma.local @!p0 [hbm:s6], $0xF7A  }
0x23: {  	s9 =	sor.u32 $0xD0000000, s2;
	s6 =	simm.s32 $0x108;
	_ =	swait.ge @!p0 [sflag:s8], $0x0  }
0x24: {  	s3 =	sadd.s32 $0x88, s3;
	s6 =	simm.s32 @!p1 $0x1082;
	[sflag:s4] =	ssyncset.s32 $0xFFFFF086  }
0x25: {  	[simem:s6], [sflag:s4] =	dma.local [hbm:s3], $0xF7A  }
0x26: {  	[smem:$0x3F9C] =	sst s1;
	(tag) =	ssettag s2;
	_ =	strace s9  }
0x27: {  	s1 =	sld [smem:$0x3FAC]  }
0x28: {  	s2 =	sld [smem:$0x3FAD]  }
0x29: {  	s4 =	sld [smem:$0x3FAF]  }
0x2a: {  	p0 =	seq.s32 s5, $0x0;
	s5 =	sld [smem:$0x3FB0]  }
0x2b: {  	s6 =	sld [smem:$0x3FB1]  }
0x2c: {  	s7 =	sld [smem:$0x3FB2]  }
0x2d: {  	s3 =	simm.s32 $0x108;
	s8 =	sld [smem:$0x3FB3]  }
0x2e: {  	s3 =	simm.s32 @!p0 $0x1082;
	s9 =	sld [smem:$0x3FB4]  }
0x2f: {  	lr =	sadd.s32 s0, s3;
	s0 =	sld [smem:$0x3FAB]  }
0x30: {  	s3 =	sld [smem:$0x3FAE]  }
0x31: {  	[smem:$0x3FB7] =	sst s10  }
0x32: {  	s10 =	sld [smem:$0x3FB5];
	_ =	sdelay $0x3  }
0x33: {  	p0 =	seq.s32 s10, $0x1;
	s10 =	sld [smem:$0x3FB7];
	_ =	sdelay $0x3  }
0x34: {  	[smem:$0x3FB7] =	sst s10  }
0x35: {  	s10 =	sld [smem:$0x3FB6];
	_ =	sdelay $0x3  }
0x36: {  	p1 =	seq.s32 s10, $0x1;
	s10 =	sld [smem:$0x3FB7];
	_ =	sdelay $0x3  }
0x37: {  	[smem:$0x3FB7] =	sst s10  }
0x38: {  	s10 =	sld [smem:$0x3FB8]  }
0x39: {  	_ = 	snop;
	(pc) =	sbr.ind lr, $3  }
0x3a: {  	_ = 	snop  }
0x3b: {  	_ = 	snop  }
0x3c: {  	p2 =	seq.s32 s10, $0x1;
	s10 =	sld [smem:$0x3FB7]  }
0x3d: {  	_ =	shalt  }
0x3e: {  	_ =	shalt  }
0x3f: {  	_ =	shalt  }
0x40: {  	_ =	shalt  }
0x41: {  	_ =	shalt  }
0x42: {  	_ =	shalt  }
0x43: {  	_ =	shalt  }
0x44: {  	_ =	shalt  }
0x45: {  	_ =	shalt  }
0x46: {  	_ =	shalt  }
0x47: {  	_ =	shalt  }
0x48: {  	_ =	shalt  }
0x49: {  	_ =	shalt  }
0x4a: {  	_ =	shalt  }
0x4b: {  	_ =	shalt  }
0x4c: {  	_ =	shalt  }
0x4d: {  	_ =	shalt  }
0x4e: {  	_ =	shalt  }
0x4f: {  	_ =	shalt  }
0x50: {  	_ =	shalt  }
0x51: {  	_ =	shalt  }
0x52: {  	_ =	shalt  }
0x53: {  	_ =	shalt  }
0x54: {  	_ =	shalt  }
0x55: {  	_ =	shalt  }
0x56: {  	_ =	shalt  }
0x57: {  	_ =	shalt  }
0x58: {  	_ =	shalt  }
0x59: {  	_ =	shalt  }
0x5a: {  	_ =	shalt  }
0x5b: {  	_ =	shalt  }
0x5c: {  	_ =	shalt  }
0x5d: {  	_ =	shalt  }
0x5e: {  	_ =	shalt  }
0x5f: {  	_ =	shalt  }
0x60: {  	_ =	shalt  }
0x61: {  	_ =	shalt  }
0x62: {  	_ =	shalt  }
0x63: {  	_ =	shalt  }
0x64: {  	_ =	shalt  }
0x65: {  	_ =	shalt  }
0x66: {  	_ =	shalt  }
0x67: {  	_ =	shalt  }
0x68: {  	_ =	shalt  }
0x69: {  	_ =	shalt  }
0x6a: {  	_ =	shalt  }
0x6b: {  	_ =	shalt  }
0x6c: {  	_ =	shalt  }
0x6d: {  	_ =	shalt  }
0x6e: {  	_ =	shalt  }
0x6f: {  	_ =	shalt  }
0x70: {  	_ =	shalt  }
0x71: {  	_ =	shalt  }
0x72: {  	_ =	shalt  }
0x73: {  	_ =	shalt  }
0x74: {  	_ =	shalt  }
0x75: {  	_ =	shalt  }
0x76: {  	_ =	shalt  }
0x77: {  	_ =	shalt  }
0x78: {  	_ =	shalt  }
0x79: {  	_ =	shalt  }
0x7a: {  	_ =	shalt  }
0x7b: {  	_ =	shalt  }
0x7c: {  	_ =	shalt  }
0x7d: {  	_ =	shalt  }
0x7e: {  	_ =	shalt  }
0x7f: {  	_ =	shalt  }
0x80: {  	_ =	shalt  }
0x81: {  	_ =	shalt  }
0x82: {  	_ =	shalt  }
0x83: {  	_ =	shalt  }
0x84: {  	_ =	shalt  }
0x85: {  	_ =	shalt  }
0x86: {  	_ =	shalt  }
0x87: {  	_ =	shalt  }
.Lfunc_end0:
.L_simem_size_0:
called_computation_lowered:
.L_overlay_start_0:
0x88: {  	s2 =	sld [smem:$0x3FD9]  }
0x89: {  	s3 =	sld [smem:$0x3FFE];
	_ =	sdelay $0x1  }
0x8a: {  	s1 =	srdreg.scid  }
0x8b: {  	s0 =	sand.u32 $0x1, s1  }
0x8c: {  	s17 =	sshll.u32 s0, $0xA;
	s2 =	sadd.s32 s3, s2  }
0x8d: {  	s2 =	sadd.s32 s2, s17  }
0x8e: {  	[smem:$0x3FC3] =	sst s2  }
0x8f: {  	_ = 	snop  }
0x90: {  	s2 =	sld [smem:$0x3FC9]  }
0x91: {  	s18 =	sld [smem:$0x3FC7]  }
0x92: {  	s4 =	sld [smem:$0x3FC6]  }
0x93: {  	s5 =	sld [smem:$0x3FD0];
	(tm) =	ssettm $0x1  }
0x94: {  	s6 =	sld [smem:$0x3FFB];
	_ =	sdelay $0x3  }
0x95: {  	_ =	strace s6  }
0x96: {  	s6 =	sld [smem:$0x3FFC];
	_ =	sdelay $0x3  }
0x97: {  	_ =	strace s6  }
0x98: {  	s6 =	sld [smem:$0x3FFD];
	_ =	sdelay $0x3  }
0x99: {  	_ =	strace s6  }
0x9a: {  	_ =	strace $0x8FFFFFFF  }
0x9b: {  	s19 =	sld [smem:$0x3FDB];
	_ =	sdelay $0x1  }
0x9c: {  	s7 =	simm.s32 $_scs_section_size  }
0x9d: {  	s8 =	simm.s32 $_size__tile_overlayer_lowered;
	s9 =	simm.s32 $_tile_overlayer_lowered  }
0x9e: {  	s22 =	simm.s32 $0x1BFF;
	s21 =	sshll.u32 s9, $0x1;
	s6 =	sadd.s32 s7, s19  }
0x9f: {  	s10 =	simm.s32 $0x0;
	s20 =	sshll.u32 s8, $0x1;
	s8 =	sadd.s32 s21, s6  }
0xa0: {  	[timem:s10], [sflag:s22] =	dma.local [hbm:s8], s20  }
0xa1: {  	_ =	swait.ge [sflag:s22], s20  }
0xa2: {  	s7 =	ssub.s32 $0x0, s20;
	[sflag:s22] =	ssyncset.done $0x0  }
0xa3: {  	[sflag:s22] =	ssyncadd.s32 s7;
	_ =	sdelay $0x1  }
0xa4: {  	s23 =	simm.s32 $0x1B8B  }
0xa5: {  	_ =	swait.ge [sflag:s23], $0x1  }
0xa6: {  	[sflag:s23] =	ssyncset.done $0x0  }
0xa7: {  	s25 =	simm.s32 $0x1B8E;
	s24 =	sld [smem:$0x3FFE];
	[sflag:s23] =	ssyncadd.s32 $0xFFFFFFFF  }
0xa8: {  	s26 =	simm.s32 $execute0_lowered;
	[smem:$0x3FD2] =	sst s25  }
0xa9: {  	s8 =	sshll.u32 s26, $0x1;
	_ =	strace $0x80000046;
	[dreg:$0x1] =	wrdreg $0xFFFFFFFF  }
0xaa: {  	s28 =	simm.s32 $_size_execute0_lowered;
	s6 =	sadd.s32 s6, s8;
	[dreg:$0x0] =	wrdreg $0x0  }
0xab: {  	s8 =	sshll.u32 s28, $0x1;
	[dreg:$0x2] =	wrdreg s6  }
0xac: {  	[dreg:$0x3] =	wrdreg s8  }
0xad: {  	[dreg:$0x4] =	wrdreg $0xC0  }
0xae: {  	_ =	task [dreg:s10], $0x5FFFF  }
0xaf: {  	[dreg:$0x1] =	wrdreg $0xFFFFFFFF  }
0xb0: {  	[dreg:$0x0] =	wrdreg $0x60  }
0xb1: {  	[dreg:$0x2] =	wrdreg s2  }
0xb2: {  	[dreg:$0x3] =	wrdreg s24  }
0xb3: {  	[dreg:$0x4] =	wrdreg s18  }
0xb4: {  	[dreg:$0x5] =	wrdreg s4  }
0xb5: {  	[dreg:$0x6] =	wrdreg s5  }
0xb6: {  	[dreg:$0x7] =	wrdreg $0x9  }
0xb7: {  	_ =	task.clear_ibuf [dreg:s10], $0x8FFFF;
	_ =	strace $0x90000046  }
0xb8: {  	s29 =	simm.s32 $0x9;
	_ =	strace $0x80000048  }
0xb9: {  	_ =	swait.ge [sflag:s29], $0x1  }
0xba: {  	[sflag:s29] =	ssyncadd.s32 $0xFFFFFFFF  }
0xbb: {  	_ =	strace $0x90000048  }
0xbc: {  	_ =	sfence  }
0xbd: {  	s30 =	sld [smem:$0x0];
	_ =	sdelay $0x2  }
0xbe: {  	s31 =	sshll.u32 s1, $0xD;
	s1 =	sshrl.u32 s1, $0x2  }
0xbf: {  	s3 =	sand.u32 $0x4000, s31;
	s1 =	sadd.s32 s1, s30  }
0xc0: {  	s0 =	sor.u32 s3, s0;
	s1 =	sshll.u32 s1, $0x11  }
0xc1: {  	s0 =	sor.u32 s1, s0  }
0xc2: {  	s0 =	sadd.s32 $0x8F2B, s0  }
0xc3: {  	[sflag:s0] =	ssyncadd.remote.s32 $0x1  }
0xc4: {  	_ =	sfence.sel $0xFFFF  }
0xc5: {  	[dreg:$0x0] =	wrdreg $0xFFFFFFFF;
	(pc) =	sbr.abs _section_cstart, $3  }
0xc6: {  	[dreg:$0x1] =	wrdreg $0xFFFFFFFF  }
0xc7: {  	_ =	task.clear_ibuf [dreg:s10], $0x2FFFF;
	_ =	strace $0x9FFFFFFF  }
0xc8: {  	(tm) =	ssettm $0x7FFFFFFF  }
0xc9: {  	_ =	shalt  }
tec
execute0_lowered:
.L_overlay_start_1:
0x0: {  	(tag) =	ssettag $0x1  }
0x1: {  	s4 =	rddreg [dreg:$0x0]  }
0x2: {  	s5 =	rddreg [dreg:$0x1]  }
0x3: {  	s6 =	rddreg [dreg:$0x2]  }
0x4: {  	s1 =	rddreg [dreg:$0x3]  }
0x5: {  	s7 =	rddreg [dreg:$0x4]  }
0x6: {  	s0 =	rddreg [dreg:$0x5];
	s8 =	srdreg.scid  }
0x7: {  	s3 =	simm.s32 $0x0;
	s2 =	stileid.u32;
	s11 =	simm.s32 $0x400  }
0x8: {  	s12 =	simm.s32 $0x600;
	s13 =	simm.s32 $0x1;
	s14 =	simm.s32 $0x800  }
0x9: {  	s15 =	simm.s32 $0x0;
	s8 =	sand.u32 $0x1, s8;
	s9 =	sshll.u32 s2, $0x7  }
0xa: {  	[smem:$0x7FF] =	sst s3;
	s10 =	sshll.u32 s8, $0x6;
	s8 =	ssub.s32 $0x2, s8  }
0xb: {  	_ =	strace $0x80000047;
	s9 =	sor.u32 s10, s9;
	s31 =	sshrl.u32 s8, $0x1  }
0xc: {  	s10 =	simm.s32 $0x200;
	s5 =	sadd.s32 s9, s5;
	s8 =	ssub.s32 s8, s31  }
0xd: {  	s4 =	sadd.s32 s4, s9;
	s6 =	sadd.s32 s6, s9;
	s7 =	sadd.s32 s7, s9  }
0xe: {  	s9 =	simm.s32 $0x2;
	s5 =	sadd.s32 $0xA00, s5;
	s8 =	smax.u32 s8, $0x1  }
.LBB2_1:
0xf: {  	[tilespmem:s3], [sflag:$0x2] =	stream.linear.gather [hbm4b:s4+s3], $0x200, $0x38;
	[tilespmem:$0xA00] =	vst v63  }
0x10: {  	_ =	swait.ge [sflag:s9], $0x200  }
0x11: {  	[sflag:s9] =	ssyncset.done $0x0  }
0x12: {  	[sflag:s9] =	ssyncadd.s32 $0xFFFFFE00  }
0x13: {  	[tilespmem:s10], [sflag:$0x1] =	stream.indirect.gather [hbm4b:s1+s10], $0x1, s3, s10, $0xb8;
	[tilespmem:$0xA00] =	vst v63  }
0x14: {  	_ = 	snop  }
0x15: {  	[tilespmem:s11], [sflag:$0x2] =	stream.linear.gather [hbm4b:s5+s3], $0x200, $0x38;
	[tilespmem:$0xA00] =	vst v63  }
0x16: {  	_ =	swait.ge [sflag:s9], $0x200  }
0x17: {  	[sflag:s9] =	ssyncset.done $0x0  }
0x18: {  	[sflag:s9] =	ssyncadd.s32 $0xFFFFFE00  }
0x19: {  	[tilespmem:s12], [sflag:$0x2] =	stream.linear.gather [hbm4b:s6+s3], $0x200, $0x38;
	[tilespmem:$0xA00] =	vst v63  }
0x1a: {  	_ =	swait.ge [sflag:s9], $0x200  }
0x1b: {  	[sflag:s9] =	ssyncset.done $0x0  }
0x1c: {  	[sflag:s9] =	ssyncadd.s32 $0xFFFFFE00  }
0x1d: {  	_ =	swait.ge [sflag:s13], $0x200  }
0x1e: {  	[sflag:s13] =	ssyncset.done $0x0  }
0x1f: {  	s16 =	simm.s32 $0x0;
	[sflag:s13] =	ssyncadd.s32 $0xFFFFFE00  }
0x20: {  	v0 =	vld [tilespmem:s16+$0x200]  }
0x21: {  	v1 =	vld [tilespmem:s16+$0x400];
	_ =	sdelay $0x1  }
0x22: {  	v2 =	vld [tilespmem:s16+$0x600]  }
0x23: {  	s17 =	simm.s32 $0x40  }
.LBB2_2:
0x24: {  	s18 =	sshra.s32 s17, $0x2;
	p0 =	sne.s32 s17, $0x7C0  }
.Ltmp0:
0x25: {  	s17 =	sadd.s32 $0x40, s17;
	v3 =	vmul.f32 v1, v0;
	v0 =	vld [tilespmem:s18+$0x200];
	(pc) =	sbr.rel @p0 .LBB2_2-.Ltmp0, $4  }
0x26: {  	v1 =	vld [tilespmem:s18+$0x400]  }
0x27: {  	v3 =	vadd.f32 v3, v2  }
0x28: {  	v2 =	vld [tilespmem:s18+$0x600]  }
0x29: {  	[tilespmem:s16+$0x800] =	vst v3;
	s16 =	smov.u32 s18  }
0x2a: {  	_ = 	snop  }
0x2b: {  	v0 =	vmul.f32 v1, v0;
	_ =	sdelay $0x1  }
0x2c: {  	s15 =	sadd.s32 $0x1, s15;
	v0 =	vadd.f32 v0, v2  }
0x2d: {  	p0 =	sne.s32 s15, s8  }
.Ltmp1:
0x2e: {  	[tilespmem:s16+$0x800] =	vst v0;
	(pc) =	sbr.rel @p0 .LBB2_1-.Ltmp1, $4  }
0x2f: {  	[hbm4b:s7+s3] =	stream.linear.scatter [tilespmem:s14], [sflag:$0x2], $0x200, $0x38;
	[tilespmem:$0xA00] =	vst v63  }
0x30: {  	_ =	swait.ge [sflag:s9], $0x200  }
0x31: {  	[sflag:s9] =	ssyncset.done $0x0  }
0x32: {  	[sflag:s9] =	ssyncadd.s32 $0xFFFFFE00  }
0x33: {  	_ =	sfence.sel $0x180000  }
0x34: {  	[bflag:$0x0] =	sbarrier.arrive $0xFFFF  }
0x35: {  	p0 =	sne.s32 s2, $0x0;
	_ =	strace $0x90000047  }
0x36: {  	s0 =	sadd.s32 @!p0 $0x100000, s0;
	[bflag:$0x2] =	sbarrier.arrive $0xFFFF  }
0x37: {  	[sflag:s0] =	ssyncadd.tile.s32 @!p0 $0x1;
	_ =	shalt  }
.Lfunc_end2:
_tile_overlayer_lowered:
.L_overlay_start_2:
0x38: {  	(tag) =	ssettag $0x2  }
0x39: {  	s0 =	rddreg [dreg:$0x0];
	s2 =	stileid.u32  }
0x3a: {  	s1 =	rddreg [dreg:$0x1];
	p0 =	sne.s32 s2, $0x0  }
0x3b: {  	s3 =	rddreg [dreg:$0x2];
	[bflag:$0x3] =	sbarrier.arrive $0xFFFF;
	s2 =	simm.s32 @!p0 $0x1C02  }
0x3c: {  	[timem:s3], [sflag:s2] =	dma.local @!p0 [hbm:s0], s1  }
0x3d: {  	s0 =	simm.s32 @!p0 $0x2  }
0x3e: {  	_ =	swait.ge @!p0 [sflag:s0], s1  }
0x3f: {  	s1 =	ssub.s32 @!p0 $0x0, s1;
	[sflag:s0] =	ssyncset.done @!p0 $0x0  }
0x40: {  	[sflag:s0] =	ssyncadd.s32 @!p0 s1  }
0x41: {  	[bflag:$0x3] =	sbarrier.arrive $0xFFFF  }
0x42: {  	_ =	shalt  }

</sc_bundles>
